<compile_context>
chip_gen: v7x
topology: tpu7x:2x2x1
jax: 0.10.2.dev20260603
libtpu: 0.0.44.dev20260713+nightly
codegen_flags: <defaults>
</compile_context>

<pallas_src>
import functools

import jax
import jax.numpy as jnp
from jax import lax
from jax.experimental import pallas as pl
from jax.experimental.pallas import tpu as pltpu
from jax.experimental.pallas import tpu_sc as plsc


@functools.cache
def _build(B: int, T: int):
    info = plsc.get_sparse_core_info()
    NC, NS, L = info.num_cores, info.num_subcores, info.num_lanes
    NW = NC * NS
    assert B % (8 * NW) == 0 and (B // NW) % L == 0 and T % 8 == 0
    b_per_w = B // NW

    mesh = plsc.VectorSubcoreMesh(core_axis_name="c", subcore_axis_name="s")

    @functools.partial(
        pl.kernel,
        mesh=mesh,
        out_type=jax.ShapeDtypeStruct((2 * B,), jnp.float32),
        compiler_params=pltpu.CompilerParams(needs_layout_passes=False),
        scratch_types=[
            pltpu.VMEM((b_per_w,), jnp.int32),
            pltpu.VMEM((2 * T,), jnp.float32),
            pltpu.VMEM((2 * b_per_w,), jnp.float32),
            pltpu.SemaphoreType.DMA,
        ],
    )
    def gather2(t_hbm, tab1_hbm, tab2_hbm, out_hbm, idx_v, tab_v, out_v, sem):
        wid = lax.axis_index("s") * NC + lax.axis_index("c")
        base = wid * b_per_w
        cp_idx = pltpu.make_async_copy(t_hbm.at[pl.ds(base, b_per_w)], idx_v, sem)
        cp_t1 = pltpu.make_async_copy(tab1_hbm, tab_v.at[pl.ds(0, T)], sem)
        cp_t2 = pltpu.make_async_copy(tab2_hbm, tab_v.at[pl.ds(T, T)], sem)
        cp_idx.start()
        cp_t1.start()
        cp_t2.start()
        cp_idx.wait()
        cp_t1.wait()
        cp_t2.wait()
        def body(j, carry):
            o = j * L
            idx = idx_v[pl.ds(o, L)]
            out_v[pl.ds(o, L)] = plsc.load_gather(tab_v, [idx])
            out_v[pl.ds(b_per_w + o, L)] = plsc.load_gather(tab_v, [idx + T])
            return carry

        lax.fori_loop(0, b_per_w // L, body, 0, unroll=2)
        cp_o1 = pltpu.make_async_copy(
            out_v.at[pl.ds(0, b_per_w)], out_hbm.at[pl.ds(base, b_per_w)], sem
        )
        cp_o2 = pltpu.make_async_copy(
            out_v.at[pl.ds(b_per_w, b_per_w)],
            out_hbm.at[pl.ds(B + base, b_per_w)],
            sem,
        )
        cp_o1.start()
        cp_o2.start()
        cp_o1.wait()
        cp_o2.wait()

    return gather2


def kernel(t, sqrt_alphas_cumprod, sqrt_one_minus_alphas_cumprod):
    B = t.shape[0]
    T = sqrt_alphas_cumprod.shape[0]
    planes = _build(B, T)(
        t.astype(jnp.int32),
        sqrt_alphas_cumprod.astype(jnp.float32),
        sqrt_one_minus_alphas_cumprod.astype(jnp.float32),
    )
    return planes.reshape(2, B, 1, 1).transpose(1, 0, 2, 3)

# --- scband reference (transcript-rebuilt; emitter-appended) ---
"""Pipeline reference for scband-scheduler-ddim-21998822490555 (READ-ONLY COPY).

The authoritative reference and input builder live on the scoring server;
editing this copy changes nothing except your own understanding.
"""

import jax, jax.numpy as jnp
import numpy as np

TRAIN_STEPS = 1000
BETA_MIN = 0.0001
BETA_MAX = 0.02
BATCH = 16384


def _make_schedule():
    # linear beta schedule, matching SchedulerDDIM._setup_schedule('linear')
    betas = jnp.linspace(BETA_MIN, BETA_MAX, TRAIN_STEPS)
    alphas = 1.0 - betas
    alphas_cumprod = jnp.cumprod(alphas, axis=0)
    sqrt_alphas_cumprod = jnp.sqrt(alphas_cumprod)
    sqrt_one_minus_alphas_cumprod = jnp.sqrt(1.0 - alphas_cumprod)
    return sqrt_alphas_cumprod, sqrt_one_minus_alphas_cumprod


def setup_inputs(seed: int = 0) -> dict:
    key = jax.random.key(seed)
    t = jax.random.randint(key, (BATCH,), 0, TRAIN_STEPS)
    sqrt_ac, sqrt_omac = _make_schedule()
    return {
        "t": t,
        "sqrt_alphas_cumprod": sqrt_ac,
        "sqrt_one_minus_alphas_cumprod": sqrt_omac,
    }


def reference(t, sqrt_alphas_cumprod, sqrt_one_minus_alphas_cumprod):
    # Embedding-lookup style gather of the precomputed schedule coefficients
    # by per-sample timestep t, then reshape for broadcasting against a
    # (B, C, H, W) image tensor (SchedulerDDIM.get_index semantics).
    batch_size = t.shape[0]
    c1 = jnp.take(sqrt_alphas_cumprod, t, axis=0).reshape(batch_size, 1, 1, 1)
    c2 = jnp.take(sqrt_one_minus_alphas_cumprod, t, axis=0).reshape(batch_size, 1, 1, 1)
    return jnp.concatenate([c1, c2], axis=1)

if __name__ == "__main__":
    import jax
    _d = setup_inputs()
    print(jax.jit(kernel)(*tuple(_d.values())))

</pallas_src>

<mosaic_0001>
#map = affine_map<(d0, d1) -> (0)>
module attributes {stable_mosaic.version = 14 : i64} {
  func.func @gather2(%arg0: i32, %arg1: i32, %arg2: memref<16384xi32, #tpu.memory_space<hbm>>, %arg3: memref<1000xf32, #tpu.memory_space<hbm>>, %arg4: memref<1000xf32, #tpu.memory_space<hbm>>, %arg5: memref<32768xf32, #tpu.memory_space<hbm>>, %arg6: memref<512xi32, #tpu.memory_space<vmem>>, %arg7: memref<2000xf32, #tpu.memory_space<vmem>>, %arg8: memref<1024xf32, #tpu.memory_space<vmem>>, %arg9: memref<!tpu.dma_semaphore, #tpu.memory_space<semaphore_mem>>) attributes {dimension_semantics = [#tpu.dimension_semantics<core_parallel>, #tpu.dimension_semantics<subcore_parallel>], iteration_bounds = array<i64: 2, 16>, scalar_prefetch = 0 : i64, scratch_operands = 4 : i64, tpu.core_type = #tpu.core_type<sc_vector_subcore>, window_params = [{transform_indices = #map}, {transform_indices = #map}, {transform_indices = #map}, {transform_indices = #map}]} {
    %mul3A = arith.constant 2 : i32
    %mul3A_0 = arith.muli %arg1, %mul3A : i32
    %add3A = arith.addi %mul3A_0, %arg0 : i32
    %mul3A_1 = arith.constant 512 : i32
    %mul3A_2 = arith.muli %add3A, %mul3A_1 : i32
    %dma_start3A = tpu.memref_slice %arg2[%mul3A_2] : memref<16384xi32, #tpu.memory_space<hbm>> -> memref<512xi32, #tpu.memory_space<hbm>>
    %dma_start3A_3 = tpu.memref_slice %arg2[%mul3A_2] : memref<16384xi32, #tpu.memory_space<hbm>> -> memref<512xi32, #tpu.memory_space<hbm>>
    tpu.enqueue_dma source(%dma_start3A_3 : memref<512xi32, #tpu.memory_space<hbm>>) target(%arg6 : memref<512xi32, #tpu.memory_space<vmem>>) target_semaphore(%arg9 : memref<!tpu.dma_semaphore, #tpu.memory_space<semaphore_mem>>)
    %dma_start3A_4 = arith.constant 0 : i32
    %dma_start3A_5 = tpu.memref_slice %arg7[%dma_start3A_4] : memref<2000xf32, #tpu.memory_space<vmem>> -> memref<1000xf32, #tpu.memory_space<vmem>>
    %dma_start3A_6 = arith.constant 0 : i32
    %dma_start3A_7 = tpu.memref_slice %arg7[%dma_start3A_6] : memref<2000xf32, #tpu.memory_space<vmem>> -> memref<1000xf32, #tpu.memory_space<vmem>>
    tpu.enqueue_dma source(%arg3 : memref<1000xf32, #tpu.memory_space<hbm>>) target(%dma_start3A_7 : memref<1000xf32, #tpu.memory_space<vmem>>) target_semaphore(%arg9 : memref<!tpu.dma_semaphore, #tpu.memory_space<semaphore_mem>>)
    %dma_start3A_8 = arith.constant 1000 : i32
    %dma_start3A_9 = tpu.memref_slice %arg7[%dma_start3A_8] : memref<2000xf32, #tpu.memory_space<vmem>> -> memref<1000xf32, #tpu.memory_space<vmem>>
    %dma_start3A_10 = arith.constant 1000 : i32
    %dma_start3A_11 = tpu.memref_slice %arg7[%dma_start3A_10] : memref<2000xf32, #tpu.memory_space<vmem>> -> memref<1000xf32, #tpu.memory_space<vmem>>
    tpu.enqueue_dma source(%arg4 : memref<1000xf32, #tpu.memory_space<hbm>>) target(%dma_start3A_11 : memref<1000xf32, #tpu.memory_space<vmem>>) target_semaphore(%arg9 : memref<!tpu.dma_semaphore, #tpu.memory_space<semaphore_mem>>)
    %dma_wait3A = tpu.memref_slice %arg2[%mul3A_2] : memref<16384xi32, #tpu.memory_space<hbm>> -> memref<512xi32, #tpu.memory_space<hbm>>
    %dma_wait3A_12 = tpu.memref_slice %arg2[%mul3A_2] : memref<16384xi32, #tpu.memory_space<hbm>> -> memref<512xi32, #tpu.memory_space<hbm>>
    tpu.wait_dma2 semaphore(%arg9 : memref<!tpu.dma_semaphore, #tpu.memory_space<semaphore_mem>>) src(%dma_wait3A_12 : memref<512xi32, #tpu.memory_space<hbm>>) dst(%arg6 : memref<512xi32, #tpu.memory_space<vmem>>)
    %dma_wait3A_13 = arith.constant 0 : i32
    %dma_wait3A_14 = tpu.memref_slice %arg7[%dma_wait3A_13] : memref<2000xf32, #tpu.memory_space<vmem>> -> memref<1000xf32, #tpu.memory_space<vmem>>
    %dma_wait3A_15 = arith.constant 0 : i32
    %dma_wait3A_16 = tpu.memref_slice %arg7[%dma_wait3A_15] : memref<2000xf32, #tpu.memory_space<vmem>> -> memref<1000xf32, #tpu.memory_space<vmem>>
    tpu.wait_dma2 semaphore(%arg9 : memref<!tpu.dma_semaphore, #tpu.memory_space<semaphore_mem>>) src(%arg3 : memref<1000xf32, #tpu.memory_space<hbm>>) dst(%dma_wait3A_16 : memref<1000xf32, #tpu.memory_space<vmem>>)
    %dma_wait3A_17 = arith.constant 1000 : i32
    %dma_wait3A_18 = tpu.memref_slice %arg7[%dma_wait3A_17] : memref<2000xf32, #tpu.memory_space<vmem>> -> memref<1000xf32, #tpu.memory_space<vmem>>
    %dma_wait3A_19 = arith.constant 1000 : i32
    %dma_wait3A_20 = tpu.memref_slice %arg7[%dma_wait3A_19] : memref<2000xf32, #tpu.memory_space<vmem>> -> memref<1000xf32, #tpu.memory_space<vmem>>
    tpu.wait_dma2 semaphore(%arg9 : memref<!tpu.dma_semaphore, #tpu.memory_space<semaphore_mem>>) src(%arg4 : memref<1000xf32, #tpu.memory_space<hbm>>) dst(%dma_wait3A_20 : memref<1000xf32, #tpu.memory_space<vmem>>)
    %scan3A = arith.constant 0 : i32
    %scan3A_21 = arith.constant 0 : i32
    %scan3A_22 = arith.constant 32 : i32
    %scan3A_23 = arith.addi %scan3A_21, %scan3A_22 : i32
    %scan3A_24 = arith.constant 2 : i32
    scf.for %scan3A_52 = %scan3A_21 to %scan3A_23 step %scan3A_24  : i32 {
      %mul3A_53 = arith.constant 16 : i32
      %mul3A_54 = arith.muli %scan3A_52, %mul3A_53 : i32
      %get3A = arith.index_cast %mul3A_54 : i32 to index
      %get3A_55 = tpu.vector_load %arg6[%get3A] {strides = array<i32>} : memref<512xi32, #tpu.memory_space<vmem>>, vector<16xi32>,
      %gather3A = tpu.vector_load_idx %arg7[%get3A_55] : memref<2000xf32, #tpu.memory_space<vmem>>[vector<16xi32>], vector<16xf32>,
      %swap3A = arith.index_cast %mul3A_54 : i32 to index
      %swap3A_56 = tpu.vector_load %arg8[%swap3A] {strides = array<i32>} : memref<1024xf32, #tpu.memory_space<vmem>>, vector<16xf32>,
      tpu.vector_store %arg8[%swap3A], %gather3A {strides = array<i32>} : memref<1024xf32, #tpu.memory_space<vmem>>, vector<16xf32>,
      %add3A_57 = arith.constant 1000 : i32
      %add3A_58 = vector.broadcast %add3A_57 : i32 to vector<16xi32>
      %add3A_59 = arith.addi %get3A_55, %add3A_58 : vector<16xi32>
      %gather3A_60 = tpu.vector_load_idx %arg7[%add3A_59] : memref<2000xf32, #tpu.memory_space<vmem>>[vector<16xi32>], vector<16xf32>,
      %add3A_61 = arith.constant 512 : i32
      %add3A_62 = arith.addi %add3A_61, %mul3A_54 : i32
      %swap3A_63 = arith.index_cast %add3A_62 : i32 to index
      %swap3A_64 = tpu.vector_load %arg8[%swap3A_63] {strides = array<i32>} : memref<1024xf32, #tpu.memory_space<vmem>>, vector<16xf32>,
      tpu.vector_store %arg8[%swap3A_63], %gather3A_60 {strides = array<i32>} : memref<1024xf32, #tpu.memory_space<vmem>>, vector<16xf32>,
      %scan3A_65 = arith.constant 1 : i32
      %scan3A_66 = arith.addi %scan3A_52, %scan3A_65 : i32
      %mul3A_67 = arith.constant 16 : i32
      %mul3A_68 = arith.muli %scan3A_66, %mul3A_67 : i32
      %get3A_69 = arith.index_cast %mul3A_68 : i32 to index
      %get3A_70 = tpu.vector_load %arg6[%get3A_69] {strides = array<i32>} : memref<512xi32, #tpu.memory_space<vmem>>, vector<16xi32>,
      %gather3A_71 = tpu.vector_load_idx %arg7[%get3A_70] : memref<2000xf32, #tpu.memory_space<vmem>>[vector<16xi32>], vector<16xf32>,
      %swap3A_72 = arith.index_cast %mul3A_68 : i32 to index
      %swap3A_73 = tpu.vector_load %arg8[%swap3A_72] {strides = array<i32>} : memref<1024xf32, #tpu.memory_space<vmem>>, vector<16xf32>,
      tpu.vector_store %arg8[%swap3A_72], %gather3A_71 {strides = array<i32>} : memref<1024xf32, #tpu.memory_space<vmem>>, vector<16xf32>,
      %add3A_74 = arith.constant 1000 : i32
      %add3A_75 = vector.broadcast %add3A_74 : i32 to vector<16xi32>
      %add3A_76 = arith.addi %get3A_70, %add3A_75 : vector<16xi32>
      %gather3A_77 = tpu.vector_load_idx %arg7[%add3A_76] : memref<2000xf32, #tpu.memory_space<vmem>>[vector<16xi32>], vector<16xf32>,
      %add3A_78 = arith.constant 512 : i32
      %add3A_79 = arith.addi %add3A_78, %mul3A_68 : i32
      %swap3A_80 = arith.index_cast %add3A_79 : i32 to index
      %swap3A_81 = tpu.vector_load %arg8[%swap3A_80] {strides = array<i32>} : memref<1024xf32, #tpu.memory_space<vmem>>, vector<16xf32>,
      tpu.vector_store %arg8[%swap3A_80], %gather3A_77 {strides = array<i32>} : memref<1024xf32, #tpu.memory_space<vmem>>, vector<16xf32>,
    }
    %scan3A_25 = arith.constant 32 : i32
    %add3A_26 = arith.constant 16384 : i32
    %add3A_27 = arith.addi %add3A_26, %mul3A_2 : i32
    %dma_start3A_28 = arith.constant 0 : i32
    %dma_start3A_29 = tpu.memref_slice %arg8[%dma_start3A_28] : memref<1024xf32, #tpu.memory_space<vmem>> -> memref<512xf32, #tpu.memory_space<vmem>>
    %dma_start3A_30 = tpu.memref_slice %arg5[%mul3A_2] : memref<32768xf32, #tpu.memory_space<hbm>> -> memref<512xf32, #tpu.memory_space<hbm>>
    %dma_start3A_31 = tpu.memref_slice %arg5[%mul3A_2] : memref<32768xf32, #tpu.memory_space<hbm>> -> memref<512xf32, #tpu.memory_space<hbm>>
    %dma_start3A_32 = arith.constant 0 : i32
    %dma_start3A_33 = tpu.memref_slice %arg8[%dma_start3A_32] : memref<1024xf32, #tpu.memory_space<vmem>> -> memref<512xf32, #tpu.memory_space<vmem>>
    tpu.enqueue_dma source(%dma_start3A_33 : memref<512xf32, #tpu.memory_space<vmem>>) target(%dma_start3A_31 : memref<512xf32, #tpu.memory_space<hbm>>) target_semaphore(%arg9 : memref<!tpu.dma_semaphore, #tpu.memory_space<semaphore_mem>>)
    %dma_start3A_34 = arith.constant 512 : i32
    %dma_start3A_35 = tpu.memref_slice %arg8[%dma_start3A_34] : memref<1024xf32, #tpu.memory_space<vmem>> -> memref<512xf32, #tpu.memory_space<vmem>>
    %dma_start3A_36 = tpu.memref_slice %arg5[%add3A_27] : memref<32768xf32, #tpu.memory_space<hbm>> -> memref<512xf32, #tpu.memory_space<hbm>>
    %dma_start3A_37 = tpu.memref_slice %arg5[%add3A_27] : memref<32768xf32, #tpu.memory_space<hbm>> -> memref<512xf32, #tpu.memory_space<hbm>>
    %dma_start3A_38 = arith.constant 512 : i32
    %dma_start3A_39 = tpu.memref_slice %arg8[%dma_start3A_38] : memref<1024xf32, #tpu.memory_space<vmem>> -> memref<512xf32, #tpu.memory_space<vmem>>
    tpu.enqueue_dma source(%dma_start3A_39 : memref<512xf32, #tpu.memory_space<vmem>>) target(%dma_start3A_37 : memref<512xf32, #tpu.memory_space<hbm>>) target_semaphore(%arg9 : memref<!tpu.dma_semaphore, #tpu.memory_space<semaphore_mem>>)
    %dma_wait3A_40 = arith.constant 0 : i32
    %dma_wait3A_41 = tpu.memref_slice %arg8[%dma_wait3A_40] : memref<1024xf32, #tpu.memory_space<vmem>> -> memref<512xf32, #tpu.memory_space<vmem>>
    %dma_wait3A_42 = tpu.memref_slice %arg5[%mul3A_2] : memref<32768xf32, #tpu.memory_space<hbm>> -> memref<512xf32, #tpu.memory_space<hbm>>
    %dma_wait3A_43 = tpu.memref_slice %arg5[%mul3A_2] : memref<32768xf32, #tpu.memory_space<hbm>> -> memref<512xf32, #tpu.memory_space<hbm>>
    %dma_wait3A_44 = arith.constant 0 : i32
    %dma_wait3A_45 = tpu.memref_slice %arg8[%dma_wait3A_44] : memref<1024xf32, #tpu.memory_space<vmem>> -> memref<512xf32, #tpu.memory_space<vmem>>
    tpu.wait_dma2 semaphore(%arg9 : memref<!tpu.dma_semaphore, #tpu.memory_space<semaphore_mem>>) src(%dma_wait3A_45 : memref<512xf32, #tpu.memory_space<vmem>>) dst(%dma_wait3A_43 : memref<512xf32, #tpu.memory_space<hbm>>)
    %dma_wait3A_46 = arith.constant 512 : i32
    %dma_wait3A_47 = tpu.memref_slice %arg8[%dma_wait3A_46] : memref<1024xf32, #tpu.memory_space<vmem>> -> memref<512xf32, #tpu.memory_space<vmem>>
    %dma_wait3A_48 = tpu.memref_slice %arg5[%add3A_27] : memref<32768xf32, #tpu.memory_space<hbm>> -> memref<512xf32, #tpu.memory_space<hbm>>
    %dma_wait3A_49 = tpu.memref_slice %arg5[%add3A_27] : memref<32768xf32, #tpu.memory_space<hbm>> -> memref<512xf32, #tpu.memory_space<hbm>>
    %dma_wait3A_50 = arith.constant 512 : i32
    %dma_wait3A_51 = tpu.memref_slice %arg8[%dma_wait3A_50] : memref<1024xf32, #tpu.memory_space<vmem>> -> memref<512xf32, #tpu.memory_space<vmem>>
    tpu.wait_dma2 semaphore(%arg9 : memref<!tpu.dma_semaphore, #tpu.memory_space<semaphore_mem>>) src(%dma_wait3A_51 : memref<512xf32, #tpu.memory_space<vmem>>) dst(%dma_wait3A_49 : memref<512xf32, #tpu.memory_space<hbm>>)
    return
  }
}

</mosaic_0001>

<sc_bundles>
// kernel: kernel.3.cloned.1.call-start
scs
__scs_entry_jumppad:
0x0: {  	(pc) =	sbr.rel $0x88, $3  }
0x1: {  	(tag) =	ssettag $0x0;
	lr =	simm.s32 $0x1  }
0x2: {  	[smem:$0x3F9E] =	sst lr;
	_ =	strace $0xD0000000  }
0x3: {  	_ = 	snop  }
0x4: {  	_ = 	snop  }
0x5: {  	_ = 	snop  }
0x6: {  	_ = 	snop  }
0x7: {  	_ = 	snop  }
__scs_overlays_trampoline_lowered:
0x8: {  	[smem:$0x3FAD] =	sst s0  }
0x9: {  	[smem:$0x3FAE] =	sst s1  }
0xa: {  	[smem:$0x3FAF] =	sst s2  }
0xb: {  	[smem:$0x3FB0] =	sst s3  }
0xc: {  	[smem:$0x3FB1] =	sst s4  }
0xd: {  	[smem:$0x3FB2] =	sst s5  }
0xe: {  	[smem:$0x3FB3] =	sst s6  }
0xf: {  	[smem:$0x3FB4] =	sst s7  }
0x10: {  	[smem:$0x3FB5] =	sst s8  }
0x11: {  	[smem:$0x3FB6] =	sst s9;
	s0 =	simm.s32 @!p0 $0x0  }
0x12: {  	s1 =	sld [smem:$0x3F9C];
	s0 =	simm.s32 @p0 $0x1  }
0x13: {  	[smem:$0x3FB7] =	sst s0;
	s0 =	simm.s32 @!p1 $0x0  }
0x14: {  	s2 =	sld [smem:$0x3F9B];
	s0 =	simm.s32 @p1 $0x1  }
0x15: {  	[smem:$0x3FB8] =	sst s0;
	s0 =	simm.s32 @!p2 $0x0  }
0x16: {  	s3 =	sld [smem:$0x3FDB];
	s0 =	simm.s32 @p2 $0x1  }
0x17: {  	s4 =	simm.s32 $0x1BF5;
	[smem:$0x3FBA] =	sst s0  }
0x18: {  	s0 =	sld [smem:$0x3F9D];
	_ =	swait.ge [sflag:s4], $0x0  }
0x19: {  	s7 =	sld [smem:$0x3F9E]  }
0x1a: {  	s8 =	sadd.s32 $0xFFFFE003, lr  }
0x1b: {  	s9 =	sadd.s32 $0xFFFFFEF7, lr;
	s5 =	simm.s32 $0xFFFFFFFF;
	p2 =	slt.u32 s8, $0xFFFFF086  }
0x1c: {  	p1 =	slt.u32 s9, $0xF7A;
	s5 =	simm.s32 @!p2 $0x0  }
0x1d: {  	s5 =	simm.s32 @p1 $0x1;
	p0 =	seq.s32 s7, s2  }
0x1e: {  	s7 =	smul.u32 @!p0 $0xF7A, s2;
	p2 =	seq.s32 @!p0 s5, $0x0  }
0x1f: {  	s9 =	smul.u32 $0xF7A, s1;
	s8 =	simm.s32 @!p0 $0x1BF5;
	p2 =	por !p2, p0  }
0x20: {  	[sflag:s8] =	ssyncset.s32 @!p0 $0xFFFFF086;
	s6 =	sadd.s32 @!p0 s3, s7;
	s7 =	simm.s32 @!p0 $0x108  }
0x21: {  	s3 =	sadd.s32 s3, s9;
	s6 =	sadd.s32 @!p0 $0x88, s6;
	s7 =	simm.s32 @p2 $0x1082  }
0x22: {  	[simem:s7], [sflag:s8] =	dma.local @!p0 [hbm:s6], $0xF7A  }
0x23: {  	s9 =	sor.u32 $0xD0000000, s2;
	s6 =	simm.s32 $0x108;
	_ =	swait.ge @!p0 [sflag:s8], $0x0  }
0x24: {  	s3 =	sadd.s32 $0x88, s3;
	s6 =	simm.s32 @!p1 $0x1082;
	[sflag:s4] =	ssyncset.s32 $0xFFFFF086  }
0x25: {  	[simem:s6], [sflag:s4] =	dma.local [hbm:s3], $0xF7A  }
0x26: {  	[smem:$0x3F9E] =	sst s1;
	(tag) =	ssettag s2;
	_ =	strace s9  }
0x27: {  	s1 =	sld [smem:$0x3FAE]  }
0x28: {  	s2 =	sld [smem:$0x3FAF]  }
0x29: {  	s4 =	sld [smem:$0x3FB1]  }
0x2a: {  	p0 =	seq.s32 s5, $0x0;
	s5 =	sld [smem:$0x3FB2]  }
0x2b: {  	s6 =	sld [smem:$0x3FB3]  }
0x2c: {  	s7 =	sld [smem:$0x3FB4]  }
0x2d: {  	s3 =	simm.s32 $0x108;
	s8 =	sld [smem:$0x3FB5]  }
0x2e: {  	s3 =	simm.s32 @!p0 $0x1082;
	s9 =	sld [smem:$0x3FB6]  }
0x2f: {  	lr =	sadd.s32 s0, s3;
	s0 =	sld [smem:$0x3FAD]  }
0x30: {  	s3 =	sld [smem:$0x3FB0]  }
0x31: {  	[smem:$0x3FB9] =	sst s10  }
0x32: {  	s10 =	sld [smem:$0x3FB7];
	_ =	sdelay $0x3  }
0x33: {  	p0 =	seq.s32 s10, $0x1;
	s10 =	sld [smem:$0x3FB9];
	_ =	sdelay $0x3  }
0x34: {  	[smem:$0x3FB9] =	sst s10  }
0x35: {  	s10 =	sld [smem:$0x3FB8];
	_ =	sdelay $0x3  }
0x36: {  	p1 =	seq.s32 s10, $0x1;
	s10 =	sld [smem:$0x3FB9];
	_ =	sdelay $0x3  }
0x37: {  	[smem:$0x3FB9] =	sst s10  }
0x38: {  	s10 =	sld [smem:$0x3FBA]  }
0x39: {  	_ = 	snop;
	(pc) =	sbr.ind lr, $3  }
0x3a: {  	_ = 	snop  }
0x3b: {  	_ = 	snop  }
0x3c: {  	p2 =	seq.s32 s10, $0x1;
	s10 =	sld [smem:$0x3FB9]  }
0x3d: {  	_ =	shalt  }
0x3e: {  	_ =	shalt  }
0x3f: {  	_ =	shalt  }
0x40: {  	_ =	shalt  }
0x41: {  	_ =	shalt  }
0x42: {  	_ =	shalt  }
0x43: {  	_ =	shalt  }
0x44: {  	_ =	shalt  }
0x45: {  	_ =	shalt  }
0x46: {  	_ =	shalt  }
0x47: {  	_ =	shalt  }
0x48: {  	_ =	shalt  }
0x49: {  	_ =	shalt  }
0x4a: {  	_ =	shalt  }
0x4b: {  	_ =	shalt  }
0x4c: {  	_ =	shalt  }
0x4d: {  	_ =	shalt  }
0x4e: {  	_ =	shalt  }
0x4f: {  	_ =	shalt  }
0x50: {  	_ =	shalt  }
0x51: {  	_ =	shalt  }
0x52: {  	_ =	shalt  }
0x53: {  	_ =	shalt  }
0x54: {  	_ =	shalt  }
0x55: {  	_ =	shalt  }
0x56: {  	_ =	shalt  }
0x57: {  	_ =	shalt  }
0x58: {  	_ =	shalt  }
0x59: {  	_ =	shalt  }
0x5a: {  	_ =	shalt  }
0x5b: {  	_ =	shalt  }
0x5c: {  	_ =	shalt  }
0x5d: {  	_ =	shalt  }
0x5e: {  	_ =	shalt  }
0x5f: {  	_ =	shalt  }
0x60: {  	_ =	shalt  }
0x61: {  	_ =	shalt  }
0x62: {  	_ =	shalt  }
0x63: {  	_ =	shalt  }
0x64: {  	_ =	shalt  }
0x65: {  	_ =	shalt  }
0x66: {  	_ =	shalt  }
0x67: {  	_ =	shalt  }
0x68: {  	_ =	shalt  }
0x69: {  	_ =	shalt  }
0x6a: {  	_ =	shalt  }
0x6b: {  	_ =	shalt  }
0x6c: {  	_ =	shalt  }
0x6d: {  	_ =	shalt  }
0x6e: {  	_ =	shalt  }
0x6f: {  	_ =	shalt  }
0x70: {  	_ =	shalt  }
0x71: {  	_ =	shalt  }
0x72: {  	_ =	shalt  }
0x73: {  	_ =	shalt  }
0x74: {  	_ =	shalt  }
0x75: {  	_ =	shalt  }
0x76: {  	_ =	shalt  }
0x77: {  	_ =	shalt  }
0x78: {  	_ =	shalt  }
0x79: {  	_ =	shalt  }
0x7a: {  	_ =	shalt  }
0x7b: {  	_ =	shalt  }
0x7c: {  	_ =	shalt  }
0x7d: {  	_ =	shalt  }
0x7e: {  	_ =	shalt  }
0x7f: {  	_ =	shalt  }
0x80: {  	_ =	shalt  }
0x81: {  	_ =	shalt  }
0x82: {  	_ =	shalt  }
0x83: {  	_ =	shalt  }
0x84: {  	_ =	shalt  }
0x85: {  	_ =	shalt  }
0x86: {  	_ =	shalt  }
0x87: {  	_ =	shalt  }
.Lfunc_end0:
.L_simem_size_0:
called_computation_lowered:
.L_overlay_start_0:
0x88: {  	s2 =	sld [smem:$0x3FD9]  }
0x89: {  	s3 =	sld [smem:$0x3FFE];
	_ =	sdelay $0x1  }
0x8a: {  	s1 =	srdreg.scid  }
0x8b: {  	s0 =	sand.u32 $0x1, s1  }
0x8c: {  	s18 =	sshll.u32 s0, $0xA;
	s2 =	sadd.s32 s3, s2  }
0x8d: {  	s2 =	sadd.s32 s2, s18  }
0x8e: {  	[smem:$0x3FC5] =	sst s2  }
0x8f: {  	_ = 	snop  }
0x90: {  	s2 =	sld [smem:$0x3FC9]  }
0x91: {  	s19 =	sld [smem:$0x3FC8]  }
0x92: {  	s4 =	sld [smem:$0x3FC7]  }
0x93: {  	s5 =	sld [smem:$0x3FD0];
	(tm) =	ssettm $0x1  }
0x94: {  	s6 =	sld [smem:$0x3FFB];
	_ =	sdelay $0x3  }
0x95: {  	_ =	strace s6  }
0x96: {  	s6 =	sld [smem:$0x3FFC];
	_ =	sdelay $0x3  }
0x97: {  	_ =	strace s6  }
0x98: {  	s6 =	sld [smem:$0x3FFD];
	_ =	sdelay $0x3  }
0x99: {  	_ =	strace s6  }
0x9a: {  	_ =	strace $0x8FFFFFFF  }
0x9b: {  	s20 =	sld [smem:$0x3FDB];
	_ =	sdelay $0x1  }
0x9c: {  	s7 =	simm.s32 $_scs_section_size  }
0x9d: {  	s8 =	simm.s32 $_size__tile_overlayer_lowered;
	s9 =	simm.s32 $_tile_overlayer_lowered  }
0x9e: {  	s23 =	simm.s32 $0x1BFF;
	s22 =	sshll.u32 s9, $0x1;
	s6 =	sadd.s32 s7, s20  }
0x9f: {  	s10 =	simm.s32 $0x0;
	s21 =	sshll.u32 s8, $0x1;
	s8 =	sadd.s32 s22, s6  }
0xa0: {  	[timem:s10], [sflag:s23] =	dma.local [hbm:s8], s21  }
0xa1: {  	_ =	swait.ge [sflag:s23], s21  }
0xa2: {  	s7 =	ssub.s32 $0x0, s21;
	[sflag:s23] =	ssyncset.done $0x0  }
0xa3: {  	[sflag:s23] =	ssyncadd.s32 s7;
	_ =	sdelay $0x1  }
0xa4: {  	s24 =	simm.s32 $0x1B8B  }
0xa5: {  	_ =	swait.ge [sflag:s24], $0x1  }
0xa6: {  	[sflag:s24] =	ssyncset.done $0x0  }
0xa7: {  	s25 =	simm.s32 $0x1B8E;
	[sflag:s24] =	ssyncadd.s32 $0xFFFFFFFF  }
0xa8: {  	s26 =	simm.s32 $execute0_lowered;
	[smem:$0x3FD2] =	sst s25  }
0xa9: {  	s7 =	sshll.u32 s26, $0x1;
	_ =	strace $0x80000046;
	[dreg:$0x1] =	wrdreg $0xFFFFFFFF  }
0xaa: {  	s28 =	simm.s32 $_size_execute0_lowered;
	s6 =	sadd.s32 s6, s7;
	[dreg:$0x0] =	wrdreg $0x0  }
0xab: {  	s7 =	sshll.u32 s28, $0x1;
	[dreg:$0x2] =	wrdreg s6  }
0xac: {  	[dreg:$0x3] =	wrdreg s7  }
0xad: {  	[dreg:$0x4] =	wrdreg $0xC0  }
0xae: {  	_ =	task [dreg:s10], $0x5FFFF  }
0xaf: {  	[dreg:$0x1] =	wrdreg $0xFFFFFFFF  }
0xb0: {  	[dreg:$0x0] =	wrdreg $0x60  }
0xb1: {  	[dreg:$0x2] =	wrdreg s2  }
0xb2: {  	[dreg:$0x3] =	wrdreg s19  }
0xb3: {  	[dreg:$0x4] =	wrdreg s4  }
0xb4: {  	[dreg:$0x5] =	wrdreg s5  }
0xb5: {  	[dreg:$0x6] =	wrdreg $0x9  }
0xb6: {  	_ =	task.clear_ibuf [dreg:s10], $0x7FFFF;
	_ =	strace $0x90000046  }
0xb7: {  	s29 =	simm.s32 $0x9;
	_ =	strace $0x80000048  }
0xb8: {  	_ =	swait.ge [sflag:s29], $0x1  }
0xb9: {  	[sflag:s29] =	ssyncadd.s32 $0xFFFFFFFF  }
0xba: {  	_ =	strace $0x90000048  }
0xbb: {  	_ =	sfence  }
0xbc: {  	s30 =	sld [smem:$0x0];
	_ =	sdelay $0x2  }
0xbd: {  	s31 =	sshll.u32 s1, $0xD;
	s1 =	sshrl.u32 s1, $0x2  }
0xbe: {  	s3 =	sand.u32 $0x4000, s31;
	s1 =	sadd.s32 s1, s30  }
0xbf: {  	s0 =	sor.u32 s3, s0;
	s1 =	sshll.u32 s1, $0x11  }
0xc0: {  	s0 =	sor.u32 s1, s0  }
0xc1: {  	s0 =	sadd.s32 $0x8F2B, s0  }
0xc2: {  	[sflag:s0] =	ssyncadd.remote.s32 $0x1  }
0xc3: {  	_ =	sfence.sel $0xFFFF  }
0xc4: {  	[dreg:$0x0] =	wrdreg $0xFFFFFFFF;
	(pc) =	sbr.abs _section_cstart, $3  }
0xc5: {  	[dreg:$0x1] =	wrdreg $0xFFFFFFFF  }
0xc6: {  	_ =	task.clear_ibuf [dreg:s10], $0x2FFFF;
	_ =	strace $0x9FFFFFFF  }
0xc7: {  	(tm) =	ssettm $0x7FFFFFFF  }
tec
execute0_lowered:
.L_overlay_start_1:
0x0: {  	(tag) =	ssettag $0x1  }
0x1: {  	s6 =	rddreg [dreg:$0x0]  }
0x2: {  	s1 =	rddreg [dreg:$0x1]  }
0x3: {  	s2 =	rddreg [dreg:$0x2]  }
0x4: {  	s5 =	rddreg [dreg:$0x3]  }
0x5: {  	s0 =	rddreg [dreg:$0x4];
	s7 =	srdreg.scid  }
0x6: {  	s4 =	simm.s32 $0x0;
	s3 =	stileid.u32;
	s11 =	simm.s32 $0x1  }
0x7: {  	s12 =	simm.s32 $0xA00;
	s13 =	simm.s32 $0xC00;
	s14 =	simm.s32 $0x0  }
0x8: {  	s7 =	sand.u32 $0x1, s7;
	s9 =	sshll.u32 s3, $0x7;
	[smem:$0x7FF] =	sst s4  }
0x9: {  	s8 =	ssub.s32 $0x2, s7;
	s7 =	sshll.u32 s7, $0x6;
	_ =	strace $0x80000047  }
0xa: {  	s10 =	sshrl.u32 s8, $0x1;
	s7 =	sor.u32 s7, s9;
	s9 =	simm.s32 $0x200  }
0xb: {  	s8 =	ssub.s32 s8, s10;
	s5 =	sadd.s32 s5, s7;
	s6 =	sadd.s32 s6, s7  }
0xc: {  	s10 =	simm.s32 $0x5E8;
	s7 =	sadd.s32 $0x800, s5;
	s8 =	smax.u32 s8, $0x1  }
.LBB2_1:
0xd: {  	[tilespmem:s4], [sflag:$0x1] =	stream.linear.gather [hbm4b:s6+s4], $0x200, $0x38;
	[tilespmem:$0xE00] =	vst v63  }
0xe: {  	_ = 	snop  }
0xf: {  	[tilespmem:s9], [sflag:$0x1] =	stream.linear.gather [hbm4b:s1+s4], $0x3E8, $0x38;
	[tilespmem:$0xE00] =	vst v63  }
0x10: {  	_ = 	snop  }
0x11: {  	[tilespmem:s10], [sflag:$0x1] =	stream.linear.gather [hbm4b:s2+s4], $0x3E8, $0x38;
	[tilespmem:$0xE00] =	vst v63  }
0x12: {  	_ =	swait.ge [sflag:s11], $0x200  }
0x13: {  	[sflag:s11] =	ssyncset.done $0x0  }
0x14: {  	[sflag:s11] =	ssyncadd.s32 $0xFFFFFE00  }
0x15: {  	_ =	swait.ge [sflag:s11], $0x3E8  }
0x16: {  	[sflag:s11] =	ssyncset.done $0x0  }
0x17: {  	[sflag:s11] =	ssyncadd.s32 $0xFFFFFC18  }
0x18: {  	_ =	swait.ge [sflag:s11], $0x3E8  }
0x19: {  	s15 =	simm.s32 $0xFFFFFFFE;
	s16 =	simm.s32 $0x10;
	[sflag:s11] =	ssyncset.done $0x0  }
0x1a: {  	s17 =	simm.s32 $0x0;
	s18 =	simm.s32 $0xA00;
	[sflag:s11] =	ssyncadd.s32 $0xFFFFFC18  }
.LBB2_2:
0x1b: {  	v0 =	vld [tilespmem:s16+$0xFFFFFFF0];
	_ =	sdelay $0x7  }
0x1c: {  	v1 =	vld.idx.msk [tilespmem:v0+s9+$0x0], $0xffff  }
0x1d: {  	v0 =	vadd.s32 $0x3E8, v0;
	_ =	sdelay $0x3  }
0x1e: {  	[tilespmem:s18+$0x0] =	vst v1  }
0x1f: {  	v0 =	vld.idx.msk [tilespmem:v0+s9+$0x0], $0xffff;
	_ =	sdelay $0x3  }
0x20: {  	s19 =	sand.u32 $0x1E0, s17  }
0x21: {  	[tilespmem:s19+$0xC00] =	vst v0  }
0x22: {  	v0 =	vld [tilespmem:s16+$0x0];
	_ =	sdelay $0x7  }
0x23: {  	v1 =	vld.idx.msk [tilespmem:v0+s9+$0x0], $0xffff  }
0x24: {  	v0 =	vadd.s32 $0x3E8, v0;
	_ =	sdelay $0x3  }
0x25: {  	s15 =	sadd.s32 $0x2, s15;
	[tilespmem:s18+$0x10] =	vst v1  }
0x26: {  	p0 =	slt.u32 s15, $0x1E;
	v0 =	vld.idx.msk [tilespmem:v0+s9+$0x0], $0xffff  }
.Ltmp0:
0x27: {  	_ = 	snop;
	(pc) =	sbr.rel @p0 .LBB2_2-.Ltmp0, $2  }
0x28: {  	_ =	sdelay $0x2  }
0x29: {  	s17 =	sadd.s32 $0x20, s17;
	s16 =	sadd.s32 $0x20, s16;
	[tilespmem:s18+$0x210] =	vst v0;
	s18 =	sadd.s32 $0x20, s18  }
0x2a: {  	[hbm4b:s5+s4] =	stream.linear.scatter [tilespmem:s12], [sflag:$0x1], $0x200, $0x38;
	[tilespmem:$0xE00] =	vst v63  }
0x2b: {  	s14 =	sadd.s32 $0x1, s14  }
0x2c: {  	[hbm4b:s7+s4] =	stream.linear.scatter [tilespmem:s13], [sflag:$0x1], $0x200, $0x38;
	[tilespmem:$0xE00] =	vst v63  }
0x2d: {  	p0 =	sne.s32 s14, s8;
	_ =	swait.ge [sflag:s11], $0x200  }
.Ltmp1:
0x2e: {  	[sflag:s11] =	ssyncset.done $0x0;
	(pc) =	sbr.rel @p0 .LBB2_1-.Ltmp1, $4  }
0x2f: {  	[sflag:s11] =	ssyncadd.s32 $0xFFFFFE00  }
0x30: {  	_ =	swait.ge [sflag:s11], $0x200  }
0x31: {  	[sflag:s11] =	ssyncset.done $0x0  }
0x32: {  	[sflag:s11] =	ssyncadd.s32 $0xFFFFFE00  }
0x33: {  	_ =	sfence.sel $0x180000  }
0x34: {  	[bflag:$0x0] =	sbarrier.arrive $0xFFFF  }
0x35: {  	p0 =	sne.s32 s3, $0x0;
	_ =	strace $0x90000047  }
0x36: {  	s0 =	sadd.s32 @!p0 $0x100000, s0;
	[bflag:$0x2] =	sbarrier.arrive $0xFFFF  }
0x37: {  	[sflag:s0] =	ssyncadd.tile.s32 @!p0 $0x1;
	_ =	shalt  }
.Lfunc_end2:
_tile_overlayer_lowered:
.L_overlay_start_2:
0x38: {  	(tag) =	ssettag $0x2  }
0x39: {  	s0 =	rddreg [dreg:$0x0];
	s2 =	stileid.u32  }
0x3a: {  	s1 =	rddreg [dreg:$0x1];
	p0 =	sne.s32 s2, $0x0  }
0x3b: {  	s3 =	rddreg [dreg:$0x2];
	[bflag:$0x3] =	sbarrier.arrive $0xFFFF;
	s2 =	simm.s32 @!p0 $0x1C02  }
0x3c: {  	[timem:s3], [sflag:s2] =	dma.local @!p0 [hbm:s0], s1  }
0x3d: {  	s0 =	simm.s32 @!p0 $0x2  }
0x3e: {  	_ =	swait.ge @!p0 [sflag:s0], s1  }
0x3f: {  	s1 =	ssub.s32 @!p0 $0x0, s1;
	[sflag:s0] =	ssyncset.done @!p0 $0x0  }
0x40: {  	[sflag:s0] =	ssyncadd.s32 @!p0 s1  }
0x41: {  	[bflag:$0x3] =	sbarrier.arrive $0xFFFF  }
0x42: {  	_ =	shalt  }

</sc_bundles>
